<compile_context>
chip_gen: v7x
topology: tpu7x:2x2x1
jax: 0.10.2.dev20260603
libtpu: 0.0.44.dev20260713+nightly
codegen_flags: <defaults>
</compile_context>

<pallas_src>
import functools

import jax
import jax.numpy as jnp
from jax import lax
from jax.experimental import pallas as pl
from jax.experimental.pallas import tpu as pltpu
from jax.experimental.pallas import tpu_sc as plsc

N_TRACKS = 2048
N_CELLS = 16
GRID = N_CELLS * N_CELLS
OUT_DIM = 128
NUM_WORKERS = 32
TRACKS_PER_WORKER = N_TRACKS // NUM_WORKERS
LANES = 16
N_CHUNKS = N_TRACKS // LANES


def _sc_occupancy_body(obs_hbm, occ_hbm, obs_v, xs, ys, occ, sem):
    cid = lax.axis_index("c")
    sid = lax.axis_index("s")
    wid = sid * 2 + cid
    base = wid * TRACKS_PER_WORKER

    cp = pltpu.async_copy(obs_hbm, obs_v, sem)

    zeros = jnp.zeros((LANES,), jnp.float32)
    ones = jnp.ones((LANES,), jnp.float32)
    lane = lax.iota(jnp.int32, LANES)

    @plsc.parallel_loop(0, TRACKS_PER_WORKER * GRID // LANES, unroll=4)
    def zero_body(t):
        occ[pl.ds(t * LANES, LANES)] = zeros

    cp.wait()

    lane2 = lane * 2

    @plsc.parallel_loop(0, N_TRACKS // LANES, unroll=4)
    def deint_body(t):
        idx = lane2 + t * (2 * LANES)
        xs[pl.ds(t * LANES, LANES)] = plsc.load_gather(obs_v, [idx]) * 0.5
        ys[pl.ds(t * LANES, LANES)] = plsc.load_gather(obs_v, [idx + 1]) * 0.5

    lane0 = lane == 0
    poison = jnp.full((LANES,), 1e30, jnp.float32)

    def per_track(k, carry):
        ig = base + k
        q = ig // LANES
        r = ig - q * LANES
        rv = jnp.full((LANES,), 0, jnp.int32) + r
        xi = xs[pl.ds(q * LANES, LANES)].at[rv].get(mode="promise_in_bounds")
        yi = ys[pl.ds(q * LANES, LANES)].at[rv].get(mode="promise_in_bounds")
        cx = 8.0 - xi
        cy = 8.0 - yi
        off = k * GRID
        igv = jnp.full((LANES,), 0, jnp.int32) + ig
        plsc.store_scatter(xs, [igv], poison, mask=lane0)

        @plsc.parallel_loop(0, N_CHUNKS, unroll=4)
        def per_chunk(c):
            xj = xs[pl.ds(c * LANES, LANES)]
            yj = ys[pl.ds(c * LANES, LANES)]
            ox = xj + cx
            oy = yj + cy
            lo = jnp.minimum(ox, oy)
            hi = jnp.maximum(ox, oy)
            m = (lo >= 0.0) & (hi < 16.0)
            fx = ox.astype(jnp.int32)
            fy = oy.astype(jnp.int32)
            code = fx * N_CELLS + fy + off
            plsc.store_scatter(occ, [code], ones, mask=m)

        plsc.store_scatter(xs, [igv], xi, mask=lane0)
        return carry

    lax.fori_loop(0, TRACKS_PER_WORKER, per_track, 0)

    pltpu.sync_copy(occ, occ_hbm.at[pl.ds(base * GRID, TRACKS_PER_WORKER * GRID)])


_sc_occupancy = functools.partial(
    pl.kernel,
    out_type=jax.ShapeDtypeStruct((N_TRACKS * GRID,), jnp.float32),
    mesh=plsc.VectorSubcoreMesh(core_axis_name="c", subcore_axis_name="s"),
    compiler_params=pltpu.CompilerParams(needs_layout_passes=False),
    scratch_types=[
        pltpu.VMEM((2 * N_TRACKS,), jnp.float32),
        pltpu.VMEM((N_TRACKS,), jnp.float32),
        pltpu.VMEM((N_TRACKS,), jnp.float32),
        pltpu.VMEM((TRACKS_PER_WORKER * GRID,), jnp.float32),
        pltpu.SemaphoreType.DMA,
    ],
)(_sc_occupancy_body)


def _linear_relu_body(occ_ref, w_ref, b_ref, out_ref):
    occ = occ_ref[...].reshape(N_TRACKS, GRID)
    acc = lax.dot_general(
        occ,
        w_ref[...],
        (((1,), (1,)), ((), ())),
        preferred_element_type=jnp.float32,
    )
    out_ref[...] = jnp.maximum(acc + b_ref[...], 0.0)


def kernel(hidden_state, obs1, obs2, W, b):
    del hidden_state, obs1
    occ_flat = _sc_occupancy(obs2.reshape(2 * N_TRACKS))
    out = pl.pallas_call(
        _linear_relu_body,
        out_shape=jax.ShapeDtypeStruct((N_TRACKS, OUT_DIM), jnp.float32),
    )(occ_flat, W, b.reshape(1, OUT_DIM))
    return out

# --- scband reference (transcript-rebuilt; emitter-appended) ---
"""Pipeline reference for scband-grid-based-pooling-5488968204865 (READ-ONLY COPY).

The authoritative reference and input builder live on the scoring server;
editing this copy changes nothing except your own understanding.
"""

import jax, jax.numpy as jnp
import numpy as np

NUM_TRACKS = 2048
N_CELLS = 16
CELL_SIDE = 2.0
CONSTANT = 0.0
HIDDEN_DIM = 128
OUT_DIM = 128
POOLING_DIM = 1


def _occupancy(obs):
    # obs: [N, 2] current positions. type_='occupancy' -> other_values = ones,
    # front=False, norm_pool=False, pool_size=1, blur_size=1 (identity blur/pool).
    N = obs.shape[0]
    # relative positions of every other ped wrt each ped: [N, N, 2]
    relative_full = obs[None, :, :] - obs[:, None, :]
    # delete diagonal -> [N, N-1, 2] (matches relative[~eye].reshape(N, N-1, 2))
    cols = np.arange(N - 1)[None, :] + (np.arange(N - 1)[None, :] >= np.arange(N)[:, None])
    rows = np.arange(N)[:, None]
    relative = relative_full[rows, cols]
    other_values = jnp.ones((N, N - 1, POOLING_DIM), dtype=obs.dtype)
    # cell indices: oij = relative / (cell_side/pool_size) + n*pool_size/2
    oij = relative / CELL_SIDE + (N_CELLS / 2.0)
    range_mask = jnp.all((oij >= 0) & (oij < N_CELLS), axis=2)
    oij = jnp.where(range_mask[..., None], oij, 0.0)
    other_values = jnp.where(range_mask[..., None], other_values, CONSTANT)
    oij = jnp.floor(oij).astype(jnp.int32)
    oi = oij[..., 0] * N_CELLS + oij[..., 1]  # [N, N-1] flattened cell ids
    # scatter-overwrite attributes into per-track occupancy maps
    occ = jnp.full((N, N_CELLS * N_CELLS, POOLING_DIM), CONSTANT, dtype=obs.dtype)
    occ = occ.at[jnp.arange(N)[:, None], oi].set(other_values)
    occ = jnp.transpose(occ, (0, 2, 1)).reshape(N, POOLING_DIM, N_CELLS, N_CELLS)
    return occ


def setup_inputs(seed: int = 0) -> dict:
    key = jax.random.key(seed)
    k1, k2, k3, k4, k5 = jax.random.split(key, 5)
    hidden_state = jax.random.normal(k1, (NUM_TRACKS, HIDDEN_DIM), dtype=jnp.float32)
    obs1 = jax.random.normal(k2, (NUM_TRACKS, 2), dtype=jnp.float32)
    obs2 = jax.random.normal(k3, (NUM_TRACKS, 2), dtype=jnp.float32)
    in_dim = N_CELLS * N_CELLS * POOLING_DIM
    W = jax.random.normal(k4, (OUT_DIM, in_dim), dtype=jnp.float32) * (1.0 / np.sqrt(in_dim))
    b = jax.random.normal(k5, (OUT_DIM,), dtype=jnp.float32) * 0.01
    return {"hidden_state": hidden_state, "obs1": obs1, "obs2": obs2, "W": W, "b": b}


def reference(hidden_state, obs1, obs2, W, b):
    # type_='occupancy' -> grid = occupancy(obs2, past_obs=obs1); past_obs unused (norm_pool=False)
    grid = _occupancy(obs2)
    num_tracks = grid.shape[0]
    grid = grid.reshape(num_tracks, -1)
    # norm == 0 -> no normalization; embedding_arch='one_layer': Linear + ReLU
    out = jnp.maximum(grid @ W.T + b, 0.0)
    return out

if __name__ == "__main__":
    import jax
    _d = setup_inputs()
    print(jax.jit(kernel)(*tuple(_d.values())))

</pallas_src>

<mosaic_0001>
#map = affine_map<(d0, d1) -> (0)>
module attributes {stable_mosaic.version = 14 : i64} {
  func.func @_sc_occupancy_body(%arg0: i32, %arg1: i32, %arg2: memref<4096xf32, #tpu.memory_space<hbm>>, %arg3: memref<524288xf32, #tpu.memory_space<hbm>>, %arg4: memref<4096xf32, #tpu.memory_space<vmem>>, %arg5: memref<2048xf32, #tpu.memory_space<vmem>>, %arg6: memref<2048xf32, #tpu.memory_space<vmem>>, %arg7: memref<16384xf32, #tpu.memory_space<vmem>>, %arg8: memref<!tpu.dma_semaphore, #tpu.memory_space<semaphore_mem>>) attributes {dimension_semantics = [#tpu.dimension_semantics<core_parallel>, #tpu.dimension_semantics<subcore_parallel>], iteration_bounds = array<i64: 2, 16>, scalar_prefetch = 0 : i64, scratch_operands = 5 : i64, tpu.core_type = #tpu.core_type<sc_vector_subcore>, window_params = [{transform_indices = #map}, {transform_indices = #map}]} {
    %mul3A = arith.constant 2 : i32
    %mul3A_0 = arith.muli %arg1, %mul3A : i32
    %add3A = arith.addi %mul3A_0, %arg0 : i32
    %mul3A_1 = arith.constant 64 : i32
    %mul3A_2 = arith.muli %add3A, %mul3A_1 : i32
    tpu.enqueue_dma source(%arg2 : memref<4096xf32, #tpu.memory_space<hbm>>) target(%arg4 : memref<4096xf32, #tpu.memory_space<vmem>>) target_semaphore(%arg8 : memref<!tpu.dma_semaphore, #tpu.memory_space<semaphore_mem>>)
    %broadcast_in_dim3A = arith.constant 0.000000e+00 : f32
    %broadcast_in_dim3A_3 = vector.broadcast %broadcast_in_dim3A : f32 to vector<16xf32>
    %broadcast_in_dim3A_4 = arith.constant 1.000000e+00 : f32
    %broadcast_in_dim3A_5 = vector.broadcast %broadcast_in_dim3A_4 : f32 to vector<16xf32>
    %iota3A = tpu.iota {dimensions = array<i32: 0>} : vector<16xi32>
    %parallel_loop3A = arith.constant 0 : i32
    %parallel_loop3A_6 = arith.constant 1024 : i32
    %parallel_loop3A_7 = arith.constant 1 : i32
    scf.for %parallel_loop3A_25 = %parallel_loop3A to %parallel_loop3A_6 step %parallel_loop3A_7  : i32 {
      %parallel_loop3A_26 = arith.constant 16 : i32
      %parallel_loop3A_27 = arith.muli %parallel_loop3A_25, %parallel_loop3A_26 : i32
      %parallel_loop3A_28 = arith.index_cast %parallel_loop3A_27 : i32 to index
      %parallel_loop3A_29 = tpu.vector_load %arg7[%parallel_loop3A_28] {strides = array<i32>} : memref<16384xf32, #tpu.memory_space<vmem>>, vector<16xf32>,
      tpu.vector_store %arg7[%parallel_loop3A_28], %broadcast_in_dim3A_3 {strides = array<i32>} : memref<16384xf32, #tpu.memory_space<vmem>>, vector<16xf32>,
    } {sc.loop_unroll_factor = 4 : i64, sc.parallel_access}
    tpu.wait_dma2 semaphore(%arg8 : memref<!tpu.dma_semaphore, #tpu.memory_space<semaphore_mem>>) src(%arg2 : memref<4096xf32, #tpu.memory_space<hbm>>) dst(%arg4 : memref<4096xf32, #tpu.memory_space<vmem>>)
    %mul3A_8 = arith.constant 2 : i32
    %mul3A_9 = vector.broadcast %mul3A_8 : i32 to vector<16xi32>
    %mul3A_10 = arith.muli %iota3A, %mul3A_9 : vector<16xi32>
    %parallel_loop3A_11 = arith.constant 0 : i32
    %parallel_loop3A_12 = arith.constant 128 : i32
    %parallel_loop3A_13 = arith.constant 1 : i32
    scf.for %parallel_loop3A_25 = %parallel_loop3A_11 to %parallel_loop3A_12 step %parallel_loop3A_13  : i32 {
      %parallel_loop3A_26 = arith.constant 32 : i32
      %parallel_loop3A_27 = arith.muli %parallel_loop3A_25, %parallel_loop3A_26 : i32
      %parallel_loop3A_28 = vector.broadcast %parallel_loop3A_27 : i32 to vector<16xi32>
      %parallel_loop3A_29 = arith.addi %mul3A_10, %parallel_loop3A_28 : vector<16xi32>
      %parallel_loop3A_30 = tpu.vector_load_idx %arg4[%parallel_loop3A_29] : memref<4096xf32, #tpu.memory_space<vmem>>[vector<16xi32>], vector<16xf32>,
      %parallel_loop3A_31 = arith.constant 5.000000e-01 : f32
      %parallel_loop3A_32 = vector.broadcast %parallel_loop3A_31 : f32 to vector<16xf32>
      %parallel_loop3A_33 = arith.mulf %parallel_loop3A_30, %parallel_loop3A_32 : vector<16xf32>
      %parallel_loop3A_34 = arith.constant 16 : i32
      %parallel_loop3A_35 = arith.muli %parallel_loop3A_25, %parallel_loop3A_34 : i32
      %parallel_loop3A_36 = arith.index_cast %parallel_loop3A_35 : i32 to index
      %parallel_loop3A_37 = tpu.vector_load %arg5[%parallel_loop3A_36] {strides = array<i32>} : memref<2048xf32, #tpu.memory_space<vmem>>, vector<16xf32>,
      tpu.vector_store %arg5[%parallel_loop3A_36], %parallel_loop3A_33 {strides = array<i32>} : memref<2048xf32, #tpu.memory_space<vmem>>, vector<16xf32>,
      %parallel_loop3A_38 = arith.constant 1 : i32
      %parallel_loop3A_39 = vector.broadcast %parallel_loop3A_38 : i32 to vector<16xi32>
      %parallel_loop3A_40 = arith.addi %parallel_loop3A_29, %parallel_loop3A_39 : vector<16xi32>
      %parallel_loop3A_41 = tpu.vector_load_idx %arg4[%parallel_loop3A_40] : memref<4096xf32, #tpu.memory_space<vmem>>[vector<16xi32>], vector<16xf32>,
      %parallel_loop3A_42 = arith.constant 5.000000e-01 : f32
      %parallel_loop3A_43 = vector.broadcast %parallel_loop3A_42 : f32 to vector<16xf32>
      %parallel_loop3A_44 = arith.mulf %parallel_loop3A_41, %parallel_loop3A_43 : vector<16xf32>
      %parallel_loop3A_45 = arith.constant 16 : i32
      %parallel_loop3A_46 = arith.muli %parallel_loop3A_25, %parallel_loop3A_45 : i32
      %parallel_loop3A_47 = arith.index_cast %parallel_loop3A_46 : i32 to index
      %parallel_loop3A_48 = tpu.vector_load %arg6[%parallel_loop3A_47] {strides = array<i32>} : memref<2048xf32, #tpu.memory_space<vmem>>, vector<16xf32>,
      tpu.vector_store %arg6[%parallel_loop3A_47], %parallel_loop3A_44 {strides = array<i32>} : memref<2048xf32, #tpu.memory_space<vmem>>, vector<16xf32>,
    } {sc.loop_unroll_factor = 4 : i64, sc.parallel_access}
    %eq3A = arith.constant 0 : i32
    %eq3A_14 = vector.broadcast %eq3A : i32 to vector<16xi32>
    %eq3A_15 = arith.cmpi eq, %iota3A, %eq3A_14 : vector<16xi32>
    %broadcast_in_dim3A_16 = arith.constant 1.000000e+30 : f32
    %broadcast_in_dim3A_17 = vector.broadcast %broadcast_in_dim3A_16 : f32 to vector<16xf32>
    %scan3A = arith.constant 0 : i32
    %scan3A_18 = arith.constant 0 : i32
    %scan3A_19 = arith.constant 64 : i32
    %scan3A_20 = arith.addi %scan3A_18, %scan3A_19 : i32
    %scan3A_21 = arith.constant 1 : i32
    scf.for %scan3A_25 = %scan3A_18 to %scan3A_20 step %scan3A_21  : i32 {
      %add3A_26 = arith.addi %mul3A_2, %scan3A_25 : i32
      %jit3A = arith.constant 16 : i32
      %div3A = arith.divsi %add3A_26, %jit3A : i32
      %sign3A = arith.constant 0 : i32
      %sign3A_27 = arith.cmpi sgt, %add3A_26, %sign3A : i32
      %sign3A_28 = arith.extui %sign3A_27 : i1 to i32
      %sign3A_29 = arith.constant 0 : i32
      %sign3A_30 = arith.cmpi slt, %add3A_26, %sign3A_29 : i32
      %sign3A_31 = arith.extui %sign3A_30 : i1 to i32
      %sign3A_32 = arith.subi %sign3A_28, %sign3A_31 : i32
      %sign3A_33 = arith.constant 0 : i32
      %sign3A_34 = arith.cmpi sgt, %jit3A, %sign3A_33 : i32
      %sign3A_35 = arith.extui %sign3A_34 : i1 to i32
      %sign3A_36 = arith.constant 0 : i32
      %sign3A_37 = arith.cmpi slt, %jit3A, %sign3A_36 : i32
      %sign3A_38 = arith.extui %sign3A_37 : i1 to i32
      %sign3A_39 = arith.subi %sign3A_35, %sign3A_38 : i32
      %ne3A = arith.cmpi ne, %sign3A_32, %sign3A_39 : i32
      %rem3A = arith.remsi %add3A_26, %jit3A : i32
      %ne3A_40 = arith.constant 0 : i32
      %ne3A_41 = arith.cmpi ne, %rem3A, %ne3A_40 : i32
      %and3A = arith.andi %ne3A, %ne3A_41 : i1
      %sub3A = arith.constant 1 : i32
      %sub3A_42 = arith.subi %div3A, %sub3A : i32
      %select_n3A = arith.select %and3A, %sub3A_42, %div3A : i32
      %mul3A_43 = arith.constant 16 : i32
      %mul3A_44 = arith.muli %select_n3A, %mul3A_43 : i32
      %sub3A_45 = arith.subi %add3A_26, %mul3A_44 : i32
      %broadcast_in_dim3A_46 = arith.constant 0 : i32
      %broadcast_in_dim3A_47 = vector.broadcast %broadcast_in_dim3A_46 : i32 to vector<16xi32>
      %add3A_48 = vector.broadcast %sub3A_45 : i32 to vector<16xi32>
      %add3A_49 = arith.addi %broadcast_in_dim3A_47, %add3A_48 : vector<16xi32>
      %mul3A_50 = arith.constant 16 : i32
      %mul3A_51 = arith.muli %select_n3A, %mul3A_50 : i32
      %get3A = arith.index_cast %mul3A_51 : i32 to index
      %get3A_52 = tpu.vector_load %arg5[%get3A] {strides = array<i32>} : memref<2048xf32, #tpu.memory_space<vmem>>, vector<16xf32>,
      %lt3A = arith.constant 0 : i32
      %lt3A_53 = vector.broadcast %lt3A : i32 to vector<16xi32>
      %lt3A_54 = arith.cmpi slt, %add3A_49, %lt3A_53 : vector<16xi32>
      %add3A_55 = arith.constant 16 : i32
      %add3A_56 = vector.broadcast %add3A_55 : i32 to vector<16xi32>
      %add3A_57 = arith.addi %add3A_49, %add3A_56 : vector<16xi32>
      %select_n3A_58 = arith.select %lt3A_54, %add3A_57, %add3A_49 : vector<16xi1>, vector<16xi32>
      %broadcast_in_dim3A_59 = vector.shape_cast %select_n3A_58 : vector<16xi32> to vector<16x1xi32>
      %gather3A = vector.shape_cast %broadcast_in_dim3A_59 : vector<16x1xi32> to vector<16xi32>
      %gather3A_60 = tpu.dynamic_gather %get3A_52[%gather3A] in [0] : vector<16xf32>, vector<16xi32> -> vector<16xf32>
      %mul3A_61 = arith.constant 16 : i32
      %mul3A_62 = arith.muli %select_n3A, %mul3A_61 : i32
      %get3A_63 = arith.index_cast %mul3A_62 : i32 to index
      %get3A_64 = tpu.vector_load %arg6[%get3A_63] {strides = array<i32>} : memref<2048xf32, #tpu.memory_space<vmem>>, vector<16xf32>,
      %lt3A_65 = arith.constant 0 : i32
      %lt3A_66 = vector.broadcast %lt3A_65 : i32 to vector<16xi32>
      %lt3A_67 = arith.cmpi slt, %add3A_49, %lt3A_66 : vector<16xi32>
      %add3A_68 = arith.constant 16 : i32
      %add3A_69 = vector.broadcast %add3A_68 : i32 to vector<16xi32>
      %add3A_70 = arith.addi %add3A_49, %add3A_69 : vector<16xi32>
      %select_n3A_71 = arith.select %lt3A_67, %add3A_70, %add3A_49 : vector<16xi1>, vector<16xi32>
      %broadcast_in_dim3A_72 = vector.shape_cast %select_n3A_71 : vector<16xi32> to vector<16x1xi32>
      %gather3A_73 = vector.shape_cast %broadcast_in_dim3A_72 : vector<16x1xi32> to vector<16xi32>
      %gather3A_74 = tpu.dynamic_gather %get3A_64[%gather3A_73] in [0] : vector<16xf32>, vector<16xi32> -> vector<16xf32>
      %sub3A_75 = arith.constant 8.000000e+00 : f32
      %sub3A_76 = vector.broadcast %sub3A_75 : f32 to vector<16xf32>
      %sub3A_77 = arith.subf %sub3A_76, %gather3A_60 : vector<16xf32>
      %sub3A_78 = arith.constant 8.000000e+00 : f32
      %sub3A_79 = vector.broadcast %sub3A_78 : f32 to vector<16xf32>
      %sub3A_80 = arith.subf %sub3A_79, %gather3A_74 : vector<16xf32>
      %mul3A_81 = arith.constant 256 : i32
      %mul3A_82 = arith.muli %scan3A_25, %mul3A_81 : i32
      %broadcast_in_dim3A_83 = arith.constant 0 : i32
      %broadcast_in_dim3A_84 = vector.broadcast %broadcast_in_dim3A_83 : i32 to vector<16xi32>
      %add3A_85 = vector.broadcast %add3A_26 : i32 to vector<16xi32>
      %add3A_86 = arith.addi %broadcast_in_dim3A_84, %add3A_85 : vector<16xi32>
      tpu.vector_store_idx %arg5[%add3A_86], %broadcast_in_dim3A_17 masked %eq3A_15 : memref<2048xf32, #tpu.memory_space<vmem>>[vector<16xi32>], vector<16xf32>, vector<16xi1>
      %parallel_loop3A_87 = arith.constant 0 : i32
      %parallel_loop3A_88 = arith.constant 128 : i32
      %parallel_loop3A_89 = arith.constant 1 : i32
      scf.for %parallel_loop3A_90 = %parallel_loop3A_87 to %parallel_loop3A_88 step %parallel_loop3A_89  : i32 {
        %parallel_loop3A_91 = arith.constant 16 : i32
        %parallel_loop3A_92 = arith.muli %parallel_loop3A_90, %parallel_loop3A_91 : i32
        %parallel_loop3A_93 = arith.index_cast %parallel_loop3A_92 : i32 to index
        %parallel_loop3A_94 = tpu.vector_load %arg5[%parallel_loop3A_93] {strides = array<i32>} : memref<2048xf32, #tpu.memory_space<vmem>>, vector<16xf32>,
        %parallel_loop3A_95 = arith.constant 16 : i32
        %parallel_loop3A_96 = arith.muli %parallel_loop3A_90, %parallel_loop3A_95 : i32
        %parallel_loop3A_97 = arith.index_cast %parallel_loop3A_96 : i32 to index
        %parallel_loop3A_98 = tpu.vector_load %arg6[%parallel_loop3A_97] {strides = array<i32>} : memref<2048xf32, #tpu.memory_space<vmem>>, vector<16xf32>,
        %parallel_loop3A_99 = arith.addf %parallel_loop3A_94, %sub3A_77 : vector<16xf32>
        %parallel_loop3A_100 = arith.addf %parallel_loop3A_98, %sub3A_80 : vector<16xf32>
        %parallel_loop3A_101 = arith.minimumf %parallel_loop3A_99, %parallel_loop3A_100 : vector<16xf32>
        %parallel_loop3A_102 = arith.maximumf %parallel_loop3A_99, %parallel_loop3A_100 : vector<16xf32>
        %parallel_loop3A_103 = arith.constant 0.000000e+00 : f32
        %parallel_loop3A_104 = vector.broadcast %parallel_loop3A_103 : f32 to vector<16xf32>
        %parallel_loop3A_105 = arith.cmpf oge, %parallel_loop3A_101, %parallel_loop3A_104 : vector<16xf32>
        %parallel_loop3A_106 = arith.constant 1.600000e+01 : f32
        %parallel_loop3A_107 = vector.broadcast %parallel_loop3A_106 : f32 to vector<16xf32>
        %parallel_loop3A_108 = arith.cmpf olt, %parallel_loop3A_102, %parallel_loop3A_107 : vector<16xf32>
        %parallel_loop3A_109 = arith.andi %parallel_loop3A_105, %parallel_loop3A_108 : vector<16xi1>
        %parallel_loop3A_110 = arith.fptosi %parallel_loop3A_99 : vector<16xf32> to vector<16xi32>
        %parallel_loop3A_111 = arith.fptosi %parallel_loop3A_100 : vector<16xf32> to vector<16xi32>
        %parallel_loop3A_112 = arith.constant 16 : i32
        %parallel_loop3A_113 = vector.broadcast %parallel_loop3A_112 : i32 to vector<16xi32>
        %parallel_loop3A_114 = arith.muli %parallel_loop3A_110, %parallel_loop3A_113 : vector<16xi32>
        %parallel_loop3A_115 = arith.addi %parallel_loop3A_114, %parallel_loop3A_111 : vector<16xi32>
        %parallel_loop3A_116 = vector.broadcast %mul3A_82 : i32 to vector<16xi32>
        %parallel_loop3A_117 = arith.addi %parallel_loop3A_115, %parallel_loop3A_116 : vector<16xi32>
        tpu.vector_store_idx %arg7[%parallel_loop3A_117], %broadcast_in_dim3A_5 masked %parallel_loop3A_109 : memref<16384xf32, #tpu.memory_space<vmem>>[vector<16xi32>], vector<16xf32>, vector<16xi1>
      } {sc.loop_unroll_factor = 4 : i64, sc.parallel_access}
      tpu.vector_store_idx %arg5[%add3A_86], %gather3A_60 masked %eq3A_15 : memref<2048xf32, #tpu.memory_space<vmem>>[vector<16xi32>], vector<16xf32>, vector<16xi1>
    }
    %scan3A_22 = arith.constant 64 : i32
    %mul3A_23 = arith.constant 256 : i32
    %mul3A_24 = arith.muli %mul3A_2, %mul3A_23 : i32
    "tpu.region"() ({
      %run_scoped3A = tpu.sem_alloc : memref<!tpu.dma_semaphore, #tpu.memory_space<semaphore_mem>>
      %dma_start3A = tpu.memref_slice %arg3[%mul3A_24] : memref<524288xf32, #tpu.memory_space<hbm>> -> memref<16384xf32, #tpu.memory_space<hbm>>
      %dma_start3A_25 = tpu.memref_slice %arg3[%mul3A_24] : memref<524288xf32, #tpu.memory_space<hbm>> -> memref<16384xf32, #tpu.memory_space<hbm>>
      tpu.enqueue_dma source(%arg7 : memref<16384xf32, #tpu.memory_space<vmem>>) target(%dma_start3A_25 : memref<16384xf32, #tpu.memory_space<hbm>>) target_semaphore(%run_scoped3A : memref<!tpu.dma_semaphore, #tpu.memory_space<semaphore_mem>>)
      %dma_wait3A = tpu.memref_slice %arg3[%mul3A_24] : memref<524288xf32, #tpu.memory_space<hbm>> -> memref<16384xf32, #tpu.memory_space<hbm>>
      %dma_wait3A_26 = tpu.memref_slice %arg3[%mul3A_24] : memref<524288xf32, #tpu.memory_space<hbm>> -> memref<16384xf32, #tpu.memory_space<hbm>>
      tpu.wait_dma2 semaphore(%run_scoped3A : memref<!tpu.dma_semaphore, #tpu.memory_space<semaphore_mem>>) src(%arg7 : memref<16384xf32, #tpu.memory_space<vmem>>) dst(%dma_wait3A_26 : memref<16384xf32, #tpu.memory_space<hbm>>)
      tpu.yield
    }) : () -> ()
    return
  }
}

module attributes {stable_mosaic.version = 14 : i64} {
  func.func @_linear_relu_body(%arg0: memref<524288xf32, #tpu.memory_space<vmem>>, %arg1: memref<128x256xf32, #tpu.memory_space<vmem>>, %arg2: memref<1x128xf32, #tpu.memory_space<vmem>>, %arg3: memref<2048x128xf32, #tpu.memory_space<vmem>>) attributes {dimension_semantics = [], scalar_prefetch = 0 : i64, scratch_operands = 0 : i64, tpu.core_type = #tpu.core_type<tc>} {
    %get3A = arith.constant 0 : index
    %get3A_0 = vector.load %arg0[%get3A] : memref<524288xf32, #tpu.memory_space<vmem>>, vector<524288xf32>
    %reshape3A = vector.shape_cast %get3A_0 : vector<524288xf32> to vector<2048x256xf32>
    %get3A_1 = arith.constant 0 : index
    %get3A_2 = arith.constant 0 : index
    %get3A_3 = vector.load %arg1[%get3A_1, %get3A_2] : memref<128x256xf32, #tpu.memory_space<vmem>>, vector<128x256xf32>
    %dot_general3A = arith.constant dense<0.000000e+00> : vector<2048x128xf32>
    %dot_general3A_4 = tpu.matmul %reshape3A, %get3A_3, %dot_general3A {dimension_numbers = #tpu.dot_dimension_numbers<[1], [1], [0], [0], [0, 0, 1, 0], [], []>, transpose_lhs_hint = false} : vector<2048x256xf32>, vector<128x256xf32>, vector<2048x128xf32> -> vector<2048x128xf32>
    %get3A_5 = arith.constant 0 : index
    %get3A_6 = arith.constant 0 : index
    %get3A_7 = vector.load %arg2[%get3A_5, %get3A_6] : memref<1x128xf32, #tpu.memory_space<vmem>>, vector<1x128xf32>
    %add3A = vector.broadcast %get3A_7 : vector<1x128xf32> to vector<2048x128xf32>
    %add3A_8 = arith.addf %dot_general3A_4, %add3A : vector<2048x128xf32>
    %max3A = arith.constant 0.000000e+00 : f32
    %max3A_9 = vector.broadcast %max3A : f32 to vector<2048x128xf32>
    %max3A_10 = arith.maximumf %add3A_8, %max3A_9 : vector<2048x128xf32>
    %swap3A = arith.constant 0 : index
    %swap3A_11 = arith.constant 0 : index
    %swap3A_12 = vector.load %arg3[%swap3A, %swap3A_11] : memref<2048x128xf32, #tpu.memory_space<vmem>>, vector<2048x128xf32>
    tpu.vector_store %arg3[%swap3A, %swap3A_11], %max3A_10 {strides = array<i32>} : memref<2048x128xf32, #tpu.memory_space<vmem>>, vector<2048x128xf32>,
    return
  }
}

</mosaic_0001>

<sc_bundles>
// kernel: kernel.4.cloned.1.call-start
scs
__scs_entry_jumppad:
0x0: {  	(pc) =	sbr.rel $0x88, $3  }
0x1: {  	(tag) =	ssettag $0x0;
	lr =	simm.s32 $0x1  }
0x2: {  	[smem:$0x3F9E] =	sst lr;
	_ =	strace $0xD0000000  }
0x3: {  	_ = 	snop  }
0x4: {  	_ = 	snop  }
0x5: {  	_ = 	snop  }
0x6: {  	_ = 	snop  }
0x7: {  	_ = 	snop  }
__scs_overlays_trampoline_lowered:
0x8: {  	[smem:$0x3FAD] =	sst s0  }
0x9: {  	[smem:$0x3FAE] =	sst s1  }
0xa: {  	[smem:$0x3FAF] =	sst s2  }
0xb: {  	[smem:$0x3FB0] =	sst s3  }
0xc: {  	[smem:$0x3FB1] =	sst s4  }
0xd: {  	[smem:$0x3FB2] =	sst s5  }
0xe: {  	[smem:$0x3FB3] =	sst s6  }
0xf: {  	[smem:$0x3FB4] =	sst s7  }
0x10: {  	[smem:$0x3FB5] =	sst s8  }
0x11: {  	[smem:$0x3FB6] =	sst s9;
	s0 =	simm.s32 @!p0 $0x0  }
0x12: {  	s1 =	sld [smem:$0x3F9C];
	s0 =	simm.s32 @p0 $0x1  }
0x13: {  	[smem:$0x3FB7] =	sst s0;
	s0 =	simm.s32 @!p1 $0x0  }
0x14: {  	s2 =	sld [smem:$0x3F9B];
	s0 =	simm.s32 @p1 $0x1  }
0x15: {  	[smem:$0x3FB8] =	sst s0;
	s0 =	simm.s32 @!p2 $0x0  }
0x16: {  	s3 =	sld [smem:$0x3FDB];
	s0 =	simm.s32 @p2 $0x1  }
0x17: {  	s4 =	simm.s32 $0x1BF5;
	[smem:$0x3FBA] =	sst s0  }
0x18: {  	s0 =	sld [smem:$0x3F9D];
	_ =	swait.ge [sflag:s4], $0x0  }
0x19: {  	s7 =	sld [smem:$0x3F9E]  }
0x1a: {  	s8 =	sadd.s32 $0xFFFFE003, lr  }
0x1b: {  	s9 =	sadd.s32 $0xFFFFFEF7, lr;
	s5 =	simm.s32 $0xFFFFFFFF;
	p2 =	slt.u32 s8, $0xFFFFF086  }
0x1c: {  	p1 =	slt.u32 s9, $0xF7A;
	s5 =	simm.s32 @!p2 $0x0  }
0x1d: {  	s5 =	simm.s32 @p1 $0x1;
	p0 =	seq.s32 s7, s2  }
0x1e: {  	s7 =	smul.u32 @!p0 $0xF7A, s2;
	p2 =	seq.s32 @!p0 s5, $0x0  }
0x1f: {  	s9 =	smul.u32 $0xF7A, s1;
	s8 =	simm.s32 @!p0 $0x1BF5;
	p2 =	por !p2, p0  }
0x20: {  	[sflag:s8] =	ssyncset.s32 @!p0 $0xFFFFF086;
	s6 =	sadd.s32 @!p0 s3, s7;
	s7 =	simm.s32 @!p0 $0x108  }
0x21: {  	s3 =	sadd.s32 s3, s9;
	s6 =	sadd.s32 @!p0 $0x88, s6;
	s7 =	simm.s32 @p2 $0x1082  }
0x22: {  	[simem:s7], [sflag:s8] =	dma.local @!p0 [hbm:s6], $0xF7A  }
0x23: {  	s9 =	sor.u32 $0xD0000000, s2;
	s6 =	simm.s32 $0x108;
	_ =	swait.ge @!p0 [sflag:s8], $0x0  }
0x24: {  	s3 =	sadd.s32 $0x88, s3;
	s6 =	simm.s32 @!p1 $0x1082;
	[sflag:s4] =	ssyncset.s32 $0xFFFFF086  }
0x25: {  	[simem:s6], [sflag:s4] =	dma.local [hbm:s3], $0xF7A  }
0x26: {  	[smem:$0x3F9E] =	sst s1;
	(tag) =	ssettag s2;
	_ =	strace s9  }
0x27: {  	s1 =	sld [smem:$0x3FAE]  }
0x28: {  	s2 =	sld [smem:$0x3FAF]  }
0x29: {  	s4 =	sld [smem:$0x3FB1]  }
0x2a: {  	p0 =	seq.s32 s5, $0x0;
	s5 =	sld [smem:$0x3FB2]  }
0x2b: {  	s6 =	sld [smem:$0x3FB3]  }
0x2c: {  	s7 =	sld [smem:$0x3FB4]  }
0x2d: {  	s3 =	simm.s32 $0x108;
	s8 =	sld [smem:$0x3FB5]  }
0x2e: {  	s3 =	simm.s32 @!p0 $0x1082;
	s9 =	sld [smem:$0x3FB6]  }
0x2f: {  	lr =	sadd.s32 s0, s3;
	s0 =	sld [smem:$0x3FAD]  }
0x30: {  	s3 =	sld [smem:$0x3FB0]  }
0x31: {  	[smem:$0x3FB9] =	sst s10  }
0x32: {  	s10 =	sld [smem:$0x3FB7];
	_ =	sdelay $0x3  }
0x33: {  	p0 =	seq.s32 s10, $0x1;
	s10 =	sld [smem:$0x3FB9];
	_ =	sdelay $0x3  }
0x34: {  	[smem:$0x3FB9] =	sst s10  }
0x35: {  	s10 =	sld [smem:$0x3FB8];
	_ =	sdelay $0x3  }
0x36: {  	p1 =	seq.s32 s10, $0x1;
	s10 =	sld [smem:$0x3FB9];
	_ =	sdelay $0x3  }
0x37: {  	[smem:$0x3FB9] =	sst s10  }
0x38: {  	s10 =	sld [smem:$0x3FBA]  }
0x39: {  	_ = 	snop;
	(pc) =	sbr.ind lr, $3  }
0x3a: {  	_ = 	snop  }
0x3b: {  	_ = 	snop  }
0x3c: {  	p2 =	seq.s32 s10, $0x1;
	s10 =	sld [smem:$0x3FB9]  }
0x3d: {  	_ =	shalt  }
0x3e: {  	_ =	shalt  }
0x3f: {  	_ =	shalt  }
0x40: {  	_ =	shalt  }
0x41: {  	_ =	shalt  }
0x42: {  	_ =	shalt  }
0x43: {  	_ =	shalt  }
0x44: {  	_ =	shalt  }
0x45: {  	_ =	shalt  }
0x46: {  	_ =	shalt  }
0x47: {  	_ =	shalt  }
0x48: {  	_ =	shalt  }
0x49: {  	_ =	shalt  }
0x4a: {  	_ =	shalt  }
0x4b: {  	_ =	shalt  }
0x4c: {  	_ =	shalt  }
0x4d: {  	_ =	shalt  }
0x4e: {  	_ =	shalt  }
0x4f: {  	_ =	shalt  }
0x50: {  	_ =	shalt  }
0x51: {  	_ =	shalt  }
0x52: {  	_ =	shalt  }
0x53: {  	_ =	shalt  }
0x54: {  	_ =	shalt  }
0x55: {  	_ =	shalt  }
0x56: {  	_ =	shalt  }
0x57: {  	_ =	shalt  }
0x58: {  	_ =	shalt  }
0x59: {  	_ =	shalt  }
0x5a: {  	_ =	shalt  }
0x5b: {  	_ =	shalt  }
0x5c: {  	_ =	shalt  }
0x5d: {  	_ =	shalt  }
0x5e: {  	_ =	shalt  }
0x5f: {  	_ =	shalt  }
0x60: {  	_ =	shalt  }
0x61: {  	_ =	shalt  }
0x62: {  	_ =	shalt  }
0x63: {  	_ =	shalt  }
0x64: {  	_ =	shalt  }
0x65: {  	_ =	shalt  }
0x66: {  	_ =	shalt  }
0x67: {  	_ =	shalt  }
0x68: {  	_ =	shalt  }
0x69: {  	_ =	shalt  }
0x6a: {  	_ =	shalt  }
0x6b: {  	_ =	shalt  }
0x6c: {  	_ =	shalt  }
0x6d: {  	_ =	shalt  }
0x6e: {  	_ =	shalt  }
0x6f: {  	_ =	shalt  }
0x70: {  	_ =	shalt  }
0x71: {  	_ =	shalt  }
0x72: {  	_ =	shalt  }
0x73: {  	_ =	shalt  }
0x74: {  	_ =	shalt  }
0x75: {  	_ =	shalt  }
0x76: {  	_ =	shalt  }
0x77: {  	_ =	shalt  }
0x78: {  	_ =	shalt  }
0x79: {  	_ =	shalt  }
0x7a: {  	_ =	shalt  }
0x7b: {  	_ =	shalt  }
0x7c: {  	_ =	shalt  }
0x7d: {  	_ =	shalt  }
0x7e: {  	_ =	shalt  }
0x7f: {  	_ =	shalt  }
0x80: {  	_ =	shalt  }
0x81: {  	_ =	shalt  }
0x82: {  	_ =	shalt  }
0x83: {  	_ =	shalt  }
0x84: {  	_ =	shalt  }
0x85: {  	_ =	shalt  }
0x86: {  	_ =	shalt  }
0x87: {  	_ =	shalt  }
.Lfunc_end0:
.L_simem_size_0:
called_computation_lowered:
.L_overlay_start_0:
0x88: {  	s2 =	sld [smem:$0x3FD9]  }
0x89: {  	s3 =	sld [smem:$0x3FFE];
	_ =	sdelay $0x1  }
0x8a: {  	s1 =	srdreg.scid  }
0x8b: {  	s0 =	sand.u32 $0x1, s1  }
0x8c: {  	s17 =	sshll.u32 s0, $0xA;
	s2 =	sadd.s32 s3, s2  }
0x8d: {  	s2 =	sadd.s32 s2, s17  }
0x8e: {  	[smem:$0x3FC5] =	sst s2  }
0x8f: {  	_ = 	snop  }
0x90: {  	s2 =	sld [smem:$0x3FD0];
	(tm) =	ssettm $0x1  }
0x91: {  	s18 =	sld [smem:$0x3FFB];
	_ =	sdelay $0x3  }
0x92: {  	_ =	strace s18  }
0x93: {  	s3 =	sld [smem:$0x3FFC];
	_ =	sdelay $0x3  }
0x94: {  	_ =	strace s3  }
0x95: {  	s3 =	sld [smem:$0x3FFD];
	_ =	sdelay $0x3  }
0x96: {  	_ =	strace s3  }
0x97: {  	_ =	strace $0x8FFFFFFF  }
0x98: {  	s19 =	sld [smem:$0x3FDB];
	_ =	sdelay $0x1  }
0x99: {  	s4 =	simm.s32 $_scs_section_size  }
0x9a: {  	s5 =	simm.s32 $_size__tile_overlayer_lowered;
	s6 =	simm.s32 $_tile_overlayer_lowered  }
0x9b: {  	s22 =	simm.s32 $0x1BFF;
	s21 =	sshll.u32 s6, $0x1;
	s3 =	sadd.s32 s4, s19  }
0x9c: {  	s7 =	simm.s32 $0x0;
	s20 =	sshll.u32 s5, $0x1;
	s5 =	sadd.s32 s21, s3  }
0x9d: {  	[timem:s7], [sflag:s22] =	dma.local [hbm:s5], s20  }
0x9e: {  	_ =	swait.ge [sflag:s22], s20  }
0x9f: {  	s4 =	ssub.s32 $0x0, s20;
	[sflag:s22] =	ssyncset.done $0x0  }
0xa0: {  	[sflag:s22] =	ssyncadd.s32 s4;
	_ =	sdelay $0x1  }
0xa1: {  	s23 =	simm.s32 $0x1B8B  }
0xa2: {  	_ =	swait.ge [sflag:s23], $0x1  }
0xa3: {  	[sflag:s23] =	ssyncset.done $0x0  }
0xa4: {  	s25 =	simm.s32 $0x1B8E;
	s24 =	sld [smem:$0x3FFE];
	[sflag:s23] =	ssyncadd.s32 $0xFFFFFFFF  }
0xa5: {  	s26 =	simm.s32 $execute0_lowered;
	[smem:$0x3FD2] =	sst s25  }
0xa6: {  	s5 =	sshll.u32 s26, $0x1;
	_ =	strace $0x80000046;
	[dreg:$0x1] =	wrdreg $0xFFFFFFFF  }
0xa7: {  	s28 =	simm.s32 $_size_execute0_lowered;
	s3 =	sadd.s32 s3, s5;
	[dreg:$0x0] =	wrdreg $0x0  }
0xa8: {  	s5 =	sshll.u32 s28, $0x1;
	[dreg:$0x2] =	wrdreg s3  }
0xa9: {  	[dreg:$0x3] =	wrdreg s5  }
0xaa: {  	[dreg:$0x4] =	wrdreg $0xC0  }
0xab: {  	_ =	task [dreg:s7], $0x5FFFF  }
0xac: {  	[dreg:$0x1] =	wrdreg $0xFFFFFFFF  }
0xad: {  	[dreg:$0x0] =	wrdreg $0x60  }
0xae: {  	[dreg:$0x2] =	wrdreg s2  }
0xaf: {  	[dreg:$0x3] =	wrdreg s24  }
0xb0: {  	[dreg:$0x4] =	wrdreg $0x9  }
0xb1: {  	_ =	task.clear_ibuf [dreg:s7], $0x5FFFF;
	_ =	strace $0x90000046  }
0xb2: {  	s29 =	simm.s32 $0x9;
	_ =	strace $0x80000048  }
0xb3: {  	_ =	swait.ge [sflag:s29], $0x1  }
0xb4: {  	[sflag:s29] =	ssyncadd.s32 $0xFFFFFFFF  }
0xb5: {  	_ =	strace $0x90000048  }
0xb6: {  	_ =	sfence  }
0xb7: {  	s30 =	sld [smem:$0x0];
	_ =	sdelay $0x2  }
0xb8: {  	s31 =	sshll.u32 s1, $0xD;
	s1 =	sshrl.u32 s1, $0x2  }
0xb9: {  	s3 =	sand.u32 $0x4000, s31;
	s1 =	sadd.s32 s1, s30  }
0xba: {  	s0 =	sor.u32 s3, s0;
	s1 =	sshll.u32 s1, $0x11  }
0xbb: {  	s0 =	sor.u32 s1, s0  }
0xbc: {  	s0 =	sadd.s32 $0x8F2B, s0  }
0xbd: {  	[sflag:s0] =	ssyncadd.remote.s32 $0x1  }
0xbe: {  	_ =	sfence.sel $0xFFFF  }
0xbf: {  	[dreg:$0x0] =	wrdreg $0xFFFFFFFF;
	(pc) =	sbr.abs _section_cstart, $3  }
0xc0: {  	[dreg:$0x1] =	wrdreg $0xFFFFFFFF  }
0xc1: {  	_ =	task.clear_ibuf [dreg:s7], $0x2FFFF;
	_ =	strace $0x9FFFFFFF  }
0xc2: {  	(tm) =	ssettm $0x7FFFFFFF  }
0xc3: {  	_ =	shalt  }
tec
execute0_lowered:
.L_overlay_start_1:
0x0: {  	(tag) =	ssettag $0x1  }
0x1: {  	s2 =	rddreg [dreg:$0x0];
	s1 =	srdreg.scid  }
0x2: {  	s0 =	stileid.u32;
	s4 =	rddreg [dreg:$0x1]  }
0x3: {  	s3 =	simm.s32 $0x0;
	s9 =	simm.s32 $0x2000;
	s10 =	simm.s32 $0x2  }
0x4: {  	s11 =	simm.s32 $0x0;
	s5 =	sand.u32 $0x1, s1;
	s6 =	sshll.u32 s0, $0x1  }
0x5: {  	v0 =	vlaneseq.u32;
	s21 =	simm.s32 $0x120;
	s1 =	rddreg [dreg:$0x2];
	s6 =	sor.u32 s5, s6  }
0x6: {  	[smem:$0x7FF] =	sst s3;
	v0 =	vmul.u32 $0x2, v0;
	s5 =	ssub.s32 $0x2, s5;
	s7 =	sshll.u32 s6, $0xB  }
0x7: {  	v1 =	vimm.f32 $0.0e+00;
	_ =	strace $0x80000047;
	s31 =	sshrl.u32 s5, $0x1;
	s7 =	sadd.s32 s7, s4  }
0x8: {  	v6 =	vimm.f32 $1.000000020e+30;
	v7 =	vimm.f32 $1.000000000e+00;
	v2 =	vor.u32 $0x1, v0;
	s8 =	ssub.s32 s5, s31;
	s4 =	sshll.u32 s6, $0x6;
	s5 =	sadd.s32 $0xA00, s7  }
0x9: {  	v3 =	vor.u32 $0x21, v0;
	v4 =	vor.u32 $0x41, v0;
	v5 =	vor.u32 $0x61, v0;
	s6 =	smax.u32 s8, $0x1;
	s7 =	simm.s32 $0x1;
	s8 =	simm.s32 $0x1000  }
.LBB2_1:
0xa: {  	[tilespmem:s3], [sflag:$0x1] =	stream.linear.gather [hbm4b:s2+s3], $0x1000, $0x38;
	[tilespmem:$0x6000] =	vst v63  }
0xb: {  	s12 =	simm.s32 $0x2020  }
0xc: {  	[tilespmem:s12+$0xFFFFFFE0] =	vst v1  }
0xd: {  	[tilespmem:s12+$0x10] =	vst v1  }
0xe: {  	s13 =	simm.s32 $0x0;
	[tilespmem:s12+$0x0] =	vst v1  }
.LBB2_2:
0xf: {  	s13 =	sadd.s32 $0x4, s13  }
0x10: {  	[tilespmem:s12+$0xFFFFFFF0] =	vst v1;
	s12 =	sadd.s32 $0x40, s12;
	p0 =	slt.u32 s13, $0x3FC  }
.Ltmp0:
0x11: {  	[tilespmem:s12+$0xFFFFFFE0] =	vst v1;
	(pc) =	sbr.rel @p0 .LBB2_2-.Ltmp0, $3  }
0x12: {  	_ =	sdelay $0x1  }
0x13: {  	[tilespmem:s12+$0x10] =	vst v1  }
0x14: {  	[tilespmem:s12+$0x0] =	vst v1  }
0x15: {  	s13 =	simm.s32 $0x60  }
0x16: {  	s15 =	simm.s32 $0x40;
	v8 =	vor.u32 s13, v0  }
0x17: {  	[tilespmem:s12+$0xFFFFFFF0] =	vst v1;
	s14 =	simm.s32 $0x20;
	v10 =	vor.u32 s15, v0  }
0x18: {  	s12 =	simm.s32 $0x0;
	_ =	swait.ge [sflag:s7], $0x1000;
	v9 =	vor.u32 s14, v0  }
0x19: {  	s16 =	simm.s32 $0x80;
	v11 =	vor.u32 s12, v0;
	[sflag:s7] =	ssyncset.done $0x0  }
0x1a: {  	s17 =	simm.s32 $0xE0;
	v12 =	vor.u32 s16, v0;
	[sflag:s7] =	ssyncadd.s32 $0xFFFFF000  }
0x1b: {  	s18 =	simm.s32 $0xA0;
	v13 =	vor.u32 s17, v0;
	v8 =	vld.idx.msk [tilespmem:v8+s12+$0x0], $0xffff  }
0x1c: {  	s24 =	simm.s32 $0xC0;
	v15 =	vor.u32 s18, v0;
	v10 =	vld.idx.msk [tilespmem:v10+s12+$0x0], $0xffff  }
0x1d: {  	s25 =	simm.s32 $0x100;
	v16 =	vor.u32 s24, v0;
	v9 =	vld.idx.msk [tilespmem:v9+s12+$0x0], $0xffff  }
0x1e: {  	v19 =	vor.u32 s25, v0;
	v11 =	vld.idx.msk [tilespmem:v11+s12+$0x0], $0xffff  }
0x1f: {  	v14 =	vor.u32 s13, v5;
	v12 =	vld.idx.msk [tilespmem:v12+s12+$0x0], $0xffff  }
0x20: {  	v17 =	vor.u32 s14, v3;
	v13 =	vld.idx.msk [tilespmem:v13+s12+$0x0], $0xffff;
	v8 =	vmul.f32 $5.000000000e-01, v8  }
0x21: {  	s19 =	simm.s32 $0x1020;
	v18 =	vor.u32 s15, v4;
	v15 =	vld.idx.msk [tilespmem:v15+s12+$0x0], $0xffff;
	v10 =	vmul.f32 $5.000000000e-01, v10  }
0x22: {  	v16 =	vld.idx.msk [tilespmem:v16+s12+$0x0], $0xffff;
	v9 =	vmul.f32 $5.000000000e-01, v9;
	[tilespmem:s19+$0x10] =	vst v8;
	v8 =	vor.u32 s12, v2  }
0x23: {  	s20 =	simm.s32 $0x160;
	v21 =	vld.idx.msk [tilespmem:v19+s12+$0x0], $0xffff;
	[tilespmem:s19+$0x0] =	vst v10;
	v10 =	vor.u32 s17, v5  }
0x24: {  	v11 =	vmul.f32 $5.000000000e-01, v11;
	[tilespmem:s19+$0xFFFFFFF0] =	vst v9;
	v9 =	vor.u32 s20, v0;
	v14 =	vld.idx.msk [tilespmem:v14+s12+$0x0], $0xffff  }
0x25: {  	v20 =	vor.u32 s21, v0;
	s26 =	simm.s32 $0x140;
	v13 =	vmul.f32 $5.000000000e-01, v13;
	v17 =	vld.idx.msk [tilespmem:v17+s12+$0x0], $0xffff  }
0x26: {  	s28 =	simm.s32 $0x1060;
	[tilespmem:s19+$0xFFFFFFE0] =	vst v11;
	v11 =	vld.idx.msk [tilespmem:v18+s12+$0x0], $0xffff;
	v18 =	vor.u32 s26, v0  }
0x27: {  	v19 =	vor.u32 s24, v4;
	[tilespmem:s28+$0x10] =	vst v13;
	v22 =	vld.idx.msk [tilespmem:v8+s12+$0x0], $0xffff  }
0x28: {  	v8 =	vor.u32 s18, v3;
	v25 =	vld.idx.msk [tilespmem:v10+s12+$0x0], $0xffff;
	v10 =	vmul.f32 $5.000000000e-01, v16  }
0x29: {  	v24 =	vor.u32 s16, v2;
	s15 =	simm.s32 $0x1E0;
	v23 =	vld.idx.msk [tilespmem:v9+s12+$0x0], $0xffff;
	v14 =	vmul.f32 $5.000000000e-01, v14  }
0x2a: {  	s29 =	simm.s32 $0x180;
	s13 =	simm.s32 $0x1820;
	v27 =	vor.u32 s15, v0;
	v26 =	vld.idx.msk [tilespmem:v20+s12+$0x0], $0xffff;
	v9 =	vmul.f32 $5.000000000e-01, v15;
	[tilespmem:s28+$0x0] =	vst v10  }
0x2b: {  	v12 =	vmul.f32 $5.000000000e-01, v12;
	v28 =	vld.idx.msk [tilespmem:v18+s12+$0x0], $0xffff;
	[tilespmem:s13+$0x10] =	vst v14;
	v14 =	vor.u32 s29, v0  }
0x2c: {  	s30 =	simm.s32 $0x1A0;
	s31 =	simm.s32 $0x1C0;
	v29 =	vor.u32 s20, v5;
	v16 =	vmul.f32 $5.000000000e-01, v17;
	[tilespmem:s28+$0xFFFFFFF0] =	vst v9;
	v15 =	vld.idx.msk [tilespmem:v19+s12+$0x0], $0xffff  }
0x2d: {  	v20 =	vor.u32 s31, v0;
	[tilespmem:s28+$0xFFFFFFE0] =	vst v12;
	v17 =	vmul.f32 $5.000000000e-01, v11;
	v19 =	vor.u32 s30, v0;
	v18 =	vld.idx.msk [tilespmem:v8+s12+$0x0], $0xffff  }
0x2e: {  	v21 =	vmul.f32 $5.000000000e-01, v21;
	v13 =	vor.u32 s21, v3;
	v10 =	vld.idx.msk [tilespmem:v24+s12+$0x0], $0xffff;
	[tilespmem:s13+$0xFFFFFFF0] =	vst v16;
	v23 =	vmul.f32 $5.000000000e-01, v23  }
0x2f: {  	s16 =	simm.s32 $0x10A0;
	v12 =	vor.u32 s26, v4;
	[tilespmem:s13+$0x0] =	vst v17;
	v30 =	vmul.f32 $5.000000000e-01, v25;
	v17 =	vmul.f32 $5.000000000e-01, v22;
	v22 =	vld.idx.msk [tilespmem:v27+s12+$0x0], $0xffff  }
0x30: {  	s14 =	simm.s32 $0x1860;
	v11 =	vor.u32 s30, v3;
	v9 =	vor.u32 s25, v2;
	v25 =	vmul.f32 $5.000000000e-01, v26;
	[tilespmem:s16+$0x10] =	vst v23;
	v16 =	vld.idx.msk [tilespmem:v14+s12+$0x0], $0xffff  }
0x31: {  	s17 =	simm.s32 $0xC;
	s18 =	simm.s32 $0x200;
	v8 =	vor.u32 s29, v2;
	v24 =	vmul.f32 $5.000000000e-01, v28;
	[tilespmem:s14+$0x10] =	vst v30;
	v14 =	vor.u32 s31, v4;
	v23 =	vld.idx.msk [tilespmem:v29+s12+$0x0], $0xffff  }
.LBB2_4:
0x32: {  	v26 =	vor.u32 s18, v0;
	v27 =	vor.u32 s18, v2;
	s19 =	sadd.s32 $0x20, s18;
	s20 =	sadd.s32 $0x60, s18;
	s17 =	sadd.s32 $0x4, s17;
	v28 =	vld.idx.msk [tilespmem:v19+s12+$0x0], $0xffff;
	[tilespmem:s16+$0xFFFFFFF0] =	vst v25;
	v25 =	vmul.f32 $5.000000000e-01, v18  }
0x33: {  	v19 =	vor.u32 s19, v0;
	v29 =	vor.u32 s19, v3;
	s19 =	sadd.s32 $0x40, s18;
	v30 =	vor.u32 s20, v0;
	p0 =	slt.u32 s17, $0x7C;
	v31 =	vld.idx.msk [tilespmem:v20+s12+$0x0], $0xffff;
	[tilespmem:s16+$0x0] =	vst v24  }
0x34: {  	v32 =	vor.u32 s15, v5;
	s15 =	smov.u32 s20;
	v20 =	vor.u32 s19, v0;
	v24 =	vor.u32 s19, v4;
	[tilespmem:s16+$0xFFFFFFE0] =	vst v21;
	v18 =	vld.idx.msk [tilespmem:v13+s12+$0x0], $0xffff;
	v13 =	vmovc v11;
	v11 =	vmovc v29  }
.Ltmp1:
0x35: {  	v21 =	vmul.f32 $5.000000000e-01, v16;
	[tilespmem:s14+$0xFFFFFFF0] =	vst v25;
	v25 =	vmul.f32 $5.000000000e-01, v15;
	v15 =	vld.idx.msk [tilespmem:v12+s12+$0x0], $0xffff;
	v12 =	vmovc v14;
	v14 =	vmov v24;
	(pc) =	sbr.rel @p0 .LBB2_4-.Ltmp1, $4  }
0x36: {  	v24 =	vmul.f32 $5.000000000e-01, v22;
	[tilespmem:s13+$0xFFFFFFE0] =	vst v17;
	v17 =	vmul.f32 $5.000000000e-01, v10;
	v10 =	vld.idx.msk [tilespmem:v9+s12+$0x0], $0xffff;
	v9 =	vmovc v8;
	v8 =	vmov v27;
	s13 =	smov.u32 s14  }
0x37: {  	s16 =	sadd.s32 $0x40, s16;
	v16 =	vld.idx.msk [tilespmem:v26+s12+$0x0], $0xffff;
	v26 =	vmul.f32 $5.000000000e-01, v23;
	[tilespmem:s14+$0x0] =	vst v25  }
0x38: {  	v25 =	vmul.f32 $5.000000000e-01, v28;
	s14 =	sadd.s32 $0x40, s14;
	v22 =	vld.idx.msk [tilespmem:v30+s12+$0x0], $0xffff;
	[tilespmem:s16+$0x10] =	vst v24  }
0x39: {  	s18 =	sadd.s32 $0x80, s18;
	v24 =	vmul.f32 $5.000000000e-01, v31;
	v23 =	vld.idx.msk [tilespmem:v32+s12+$0x0], $0xffff;
	[tilespmem:s14+$0x10] =	vst v26  }
0x3a: {  	_ =	sdelay $0x1  }
0x3b: {  	[tilespmem:s16+$0xFFFFFFF0] =	vst v25  }
0x3c: {  	[tilespmem:s16+$0xFFFFFFE0] =	vst v21  }
0x3d: {  	v19 =	vld.idx.msk [tilespmem:v19+s12+$0x0], $0xffff;
	v18 =	vmul.f32 $5.000000000e-01, v18;
	[tilespmem:s13+$0xFFFFFFE0] =	vst v17  }
0x3e: {  	v20 =	vld.idx.msk [tilespmem:v20+s12+$0x0], $0xffff;
	v15 =	vmul.f32 $5.000000000e-01, v15;
	[tilespmem:s16+$0x0] =	vst v24  }
0x3f: {  	v55 =	vor.u32 s15, v5;
	v10 =	vmul.f32 $5.000000000e-01, v10;
	[tilespmem:s14+$0xFFFFFFF0] =	vst v18  }
0x40: {  	v13 =	vld.idx.msk [tilespmem:v13+s12+$0x0], $0xffff;
	[tilespmem:s14+$0x0] =	vst v15;
	v61 =	vmul.f32 $5.000000000e-01, v16  }
0x41: {  	s29 =	sadd.s32 $0x40, s16;
	v9 =	vld.idx.msk [tilespmem:v9+s12+$0x0], $0xffff;
	v56 =	vmul.f32 $5.000000000e-01, v22;
	[tilespmem:s14+$0xFFFFFFE0] =	vst v10  }
0x42: {  	v12 =	vld.idx.msk [tilespmem:v12+s12+$0x0], $0xffff;
	[tilespmem:s29+$0xFFFFFFE0] =	vst v61;
	v57 =	vmul.f32 $5.000000000e-01, v19  }
0x43: {  	[tilespmem:s29+$0x10] =	vst v56;
	v59 =	vmul.f32 $5.000000000e-01, v20;
	v8 =	vld.idx.msk [tilespmem:v8+s12+$0x0], $0xffff  }
0x44: {  	v58 =	vmul.f32 $5.000000000e-01, v23;
	v60 =	vld.idx.msk [tilespmem:v55+s12+$0x0], $0xffff;
	[tilespmem:s29+$0xFFFFFFF0] =	vst v57  }
0x45: {  	s30 =	sadd.s32 $0x40, s14;
	v13 =	vmul.f32 $5.000000000e-01, v13;
	[tilespmem:s29+$0x0] =	vst v59;
	v11 =	vld.idx.msk [tilespmem:v11+s12+$0x0], $0xffff  }
0x46: {  	[tilespmem:s30+$0x10] =	vst v58;
	v9 =	vmul.f32 $5.000000000e-01, v9;
	v14 =	vld.idx.msk [tilespmem:v14+s12+$0x0], $0xffff  }
0x47: {  	v12 =	vmul.f32 $5.000000000e-01, v12;
	[tilespmem:s30+$0xFFFFFFF0] =	vst v13  }
0x48: {  	[tilespmem:s30+$0xFFFFFFE0] =	vst v9;
	v8 =	vmul.f32 $5.000000000e-01, v8  }
0x49: {  	s31 =	sadd.s32 $0x40, s30;
	[tilespmem:s30+$0x0] =	vst v12;
	v62 =	vmul.f32 $5.000000000e-01, v60  }
0x4a: {  	[tilespmem:s31+$0xFFFFFFE0] =	vst v8;
	v11 =	vmul.f32 $5.000000000e-01, v11  }
0x4b: {  	[tilespmem:s31+$0x10] =	vst v62;
	v63 =	vmul.f32 $5.000000000e-01, v14  }
0x4c: {  	[tilespmem:s31+$0xFFFFFFF0] =	vst v11  }
0x4d: {  	[tilespmem:s31+$0x0] =	vst v63  }
.LBB2_6:
0x4e: {  	s13 =	sadd.s32 s4, s12;
	s14 =	sand.u32 $0xF, s12  }
0x4f: {  	p0 =	seq.s32 s13, $0x0;
	p1 =	sne.s32 s14, $0x0  }
0x50: {  	p0 =	por !p0, !p1  }
0x51: {  	s14 =	simm.s32 $0xFFFFFFFF;
	p0 =	por !p0, !p0  }
0x52: {  	v8 =	vmov s13;
	s14 =	simm.s32 @!p0 $0x0  }
0x53: {  	s14 =	sshll.u32 s14, $0x4  }
0x54: {  	s14 =	sadd.s32 s13, s14  }
0x55: {  	s14 =	sand.u32 $0xFFFFFFF0, s14  }
0x56: {  	v9 =	vld [tilespmem:s14+$0x1000];
	s15 =	ssub.s32 s13, s14  }
0x57: {  	s30 =	simm.s32 $0x1020;
	v10 =	vld [tilespmem:s14+$0x1800];
	[tilespmem:v8+s8+$0x0] =	vst.idx.msk $0x1, v6;
	v11 =	vmov s15  }
0x58: {  	s13 =	simm.s32 $0x1820;
	v13 =	vld [tilespmem:s30+$0x10];
	v11 =	vshrl.u32 v11, $0x1B  }
0x59: {  	v14 =	vld [tilespmem:s13+$0x10];
	v11 =	vand.u32 $0x10, v11  }
0x5a: {  	v15 =	vld [tilespmem:s13+$0xFFFFFFE0];
	v11 =	vadd.s32 s15, v11  }
0x5b: {  	v16 =	vld [tilespmem:s30+$0xFFFFFFF0];
	v9 =	vperm.xlane v9, v11  }
0x5c: {  	v19 =	vld [tilespmem:s30+$0xFFFFFFE0];
	v10 =	vperm.xlane v10, v11  }
0x5d: {  	v18 =	vld [tilespmem:s30+$0x0];
	v11 =	vsub.f32 $8.000000000e+00, v9  }
0x5e: {  	v12 =	vsub.f32 $8.000000000e+00, v10  }
0x5f: {  	v13 =	vadd.f32 v13, v11  }
0x60: {  	s31 =	sshll.u32 s12, $0x8;
	v14 =	vadd.f32 v14, v12;
	v15 =	vadd.f32 v15, v12  }
0x61: {  	v17 =	vld [tilespmem:s13+$0xFFFFFFF0];
	v10 =	vmov s31;
	v24 =	vadd.f32 v16, v11;
	v19 =	vadd.f32 v19, v11  }
0x62: {  	v20 =	vld [tilespmem:s13+$0x0];
	v16 =	vadd.f32 v18, v11;
	v22 =	vtrunc.f32 v13;
	v23 =	vtrunc.f32 v14  }
0x63: {  	v21 =	vmin.f32 v13, v14;
	v26 =	vtrunc.f32 v15;
	v18 =	vtrunc.f32 v19  }
0x64: {  	v13 =	vmax.f32 v13, v14;
	v14 =	vcvt.f32.s32 v22;
	v22 =	vcvt.f32.s32 v23  }
0x65: {  	v27 =	vtrunc.f32 v24;
	vm0 =	vge.f32 v21, $0.0e+00;
	vm1 =	vlt.f32 v13, $1.600000000e+01  }
0x66: {  	vm0 =	vmand vm0, vm1;
	v13 =	vshll.u32 v14, $0x4;
	v14 =	vadd.s32 v22, v10  }
0x67: {  	v21 =	vadd.f32 v17, v12;
	v17 =	vadd.f32 v20, v12;
	v25 =	vadd.s32 v13, v14  }
0x68: {  	v28 =	vtrunc.f32 v16;
	v20 =	vcvt.f32.s32 v26  }
0x69: {  	v22 =	vcvt.f32.s32 v18;
	v23 =	vtrunc.f32 v17  }
0x6a: {  	v18 =	vmax.f32 v24, v21;
	v13 =	vmin.f32 v19, v15;
	v14 =	vmax.f32 v19, v15  }
0x6b: {  	v19 =	vtrunc.f32 v21;
	v15 =	vmin.f32 v24, v21;
	v21 =	vcvt.f32.s32 v27  }
0x6c: {  	s14 =	simm.s32 $0x0;
	s15 =	simm.s32 $0x1060;
	v24 =	vcvt.f32.s32 v28;
	[tilespmem:v25+s9+$0x0] =	vst.idx.msk vm0, v7;
	v25 =	vcvt.f32.s32 v19;
	v19 =	vmin.f32 v16, v17  }
.LBB2_7:
0x6d: {  	v26 =	vld [tilespmem:s15+$0x10];
	v22 =	vshll.u32 v22, $0x4;
	v16 =	vmax.f32 v16, v17;
	v17 =	vcvt.f32.s32 v23;
	s13 =	sadd.s32 $0x40, s13  }
0x6e: {  	s14 =	sadd.s32 $0x4, s14;
	v20 =	vadd.s32 v20, v10;
	v21 =	vshll.u32 v21, $0x4;
	v23 =	vld [tilespmem:s13+$0x10];
	v25 =	vadd.s32 v25, v10  }
0x6f: {  	vm0 =	vge.f32 v13, $0.0e+00;
	p0 =	slt.u32 s14, $0x7C;
	v13 =	vshll.u32 v24, $0x4;
	v27 =	vld [tilespmem:s13+$0xFFFFFFE0];
	v17 =	vadd.s32 v17, v10  }
0x70: {  	vm1 =	vlt.f32 v14, $1.600000000e+01;
	vm2 =	vge.f32 v15, $0.0e+00;
	vm3 =	vlt.f32 v18, $1.600000000e+01;
	v24 =	vld [tilespmem:s15+$0xFFFFFFF0]  }
0x71: {  	vm4 =	vge.f32 v19, $0.0e+00;
	v15 =	vadd.s32 v22, v20;
	vm5 =	vlt.f32 v16, $1.600000000e+01;
	v14 =	vld [tilespmem:s13+$0xFFFFFFF0]  }
0x72: {  	vm0 =	vmand vm0, vm1;
	v18 =	vadd.s32 v21, v25;
	v19 =	vadd.s32 v13, v17;
	v16 =	vld [tilespmem:s15+$0x0]  }
0x73: {  	vm1 =	vmand vm2, vm3;
	v17 =	vadd.f32 v26, v11;
	v13 =	vld [tilespmem:s13+$0x0];
	v20 =	vadd.f32 v23, v12  }
0x74: {  	vm2 =	vmand vm4, vm5;
	v21 =	vld [tilespmem:s15+$0xFFFFFFE0];
	v22 =	vadd.f32 v27, v12  }
0x75: {  	v25 =	vtrunc.f32 v17;
	v23 =	vmin.f32 v17, v20;
	v26 =	vtrunc.f32 v20  }
0x76: {  	v17 =	vmax.f32 v17, v20;
	v20 =	vcvt.f32.s32 v25;
	v25 =	vcvt.f32.s32 v26  }
0x77: {  	v24 =	vadd.f32 v24, v11;
	vm3 =	vge.f32 v23, $0.0e+00;
	vm4 =	vlt.f32 v17, $1.600000000e+01  }
0x78: {  	vm3 =	vmand vm3, vm4;
	v17 =	vshll.u32 v20, $0x4;
	v20 =	vadd.s32 v25, v10;
	[tilespmem:v15+s9+$0x0] =	vst.idx.msk vm0, v7  }
0x79: {  	v15 =	vadd.f32 v21, v11;
	v21 =	vadd.f32 v14, v12;
	v25 =	vadd.s32 v17, v20  }
0x7a: {  	v16 =	vadd.f32 v16, v11;
	v20 =	vtrunc.f32 v22;
	v17 =	vadd.f32 v13, v12;
	[tilespmem:v18+s9+$0x0] =	vst.idx.msk vm1, v7  }
.Ltmp2:
0x7b: {  	v26 =	vtrunc.f32 v24;
	v13 =	vmin.f32 v15, v22;
	v18 =	vtrunc.f32 v15;
	[tilespmem:v19+s9+$0x0] =	vst.idx.msk vm2, v7;
	(pc) =	sbr.rel @p0 .LBB2_7-.Ltmp2, $4  }
0x7c: {  	v27 =	vtrunc.f32 v16;
	v14 =	vmax.f32 v15, v22;
	v19 =	vtrunc.f32 v21  }
0x7d: {  	v15 =	vmin.f32 v24, v21;
	v23 =	vtrunc.f32 v17;
	v22 =	vcvt.f32.s32 v18  }
0x7e: {  	v20 =	vcvt.f32.s32 v20;
	v18 =	vmax.f32 v24, v21;
	v21 =	vcvt.f32.s32 v26;
	[tilespmem:v25+s9+$0x0] =	vst.idx.msk vm3, v7  }
0x7f: {  	s15 =	sadd.s32 $0x40, s15;
	v24 =	vcvt.f32.s32 v27;
	v25 =	vcvt.f32.s32 v19;
	v19 =	vmin.f32 v16, v17  }
0x80: {  	v11 =	vshll.u32 v22, $0x4  }
0x81: {  	v12 =	vmax.f32 v16, v17;
	v57 =	vcvt.f32.s32 v23;
	v58 =	vadd.s32 v20, v10  }
0x82: {  	v59 =	vshll.u32 v21, $0x4;
	vm0 =	vge.f32 v13, $0.0e+00;
	vm1 =	vlt.f32 v14, $1.600000000e+01  }
0x83: {  	vm2 =	vge.f32 v15, $0.0e+00;
	vm3 =	vlt.f32 v18, $1.600000000e+01;
	vm15 =	vge.f32 v19, $0.0e+00  }
0x84: {  	v60 =	vadd.s32 v25, v10;
	v61 =	vshll.u32 v24, $0x4;
	vm0 =	vmand vm0, vm1  }
0x85: {  	v11 =	vadd.s32 v11, v58;
	vm4 =	vlt.f32 v12, $1.600000000e+01;
	vm2 =	vmand vm2, vm3  }
0x86: {  	v62 =	vadd.s32 v57, v10;
	v63 =	vadd.s32 v59, v60;
	vm1 =	vmand vm15, vm4  }
0x87: {  	s12 =	sadd.s32 $0x1, s12;
	v10 =	vadd.s32 v61, v62  }
0x88: {  	p0 =	sne.s32 s12, $0x40  }
.Ltmp3:
0x89: {  	_ = 	snop;
	(pc) =	sbr.rel @p0 .LBB2_6-.Ltmp3, $4  }
0x8a: {  	[tilespmem:v11+s9+$0x0] =	vst.idx.msk vm0, v7  }
0x8b: {  	[tilespmem:v63+s9+$0x0] =	vst.idx.msk vm2, v7  }
0x8c: {  	[tilespmem:v10+s9+$0x0] =	vst.idx.msk vm1, v7  }
0x8d: {  	[tilespmem:v8+s8+$0x0] =	vst.idx.msk $0x1, v9  }
0x8e: {  	s11 =	sadd.s32 $0x1, s11  }
0x8f: {  	p0 =	sne.s32 s11, s6  }
.Ltmp4:
0x90: {  	_ = 	snop;
	(pc) =	sbr.rel @p0 .LBB2_1-.Ltmp4, $4  }
0x91: {  	[hbm4b:s5+s3] =	stream.linear.scatter [tilespmem:s9], [sflag:$0x2], $0x4000, $0x38;
	[tilespmem:$0x6000] =	vst v63  }
0x92: {  	_ =	swait.ge [sflag:s10], $0x4000  }
0x93: {  	[sflag:s10] =	ssyncset.done $0x0  }
0x94: {  	[sflag:s10] =	ssyncadd.s32 $0xFFFFC000  }
0x95: {  	_ =	sfence.sel $0x180000  }
0x96: {  	[bflag:$0x0] =	sbarrier.arrive $0xFFFF  }
0x97: {  	p0 =	sne.s32 s0, $0x0;
	_ =	strace $0x90000047  }
0x98: {  	s0 =	sadd.s32 @!p0 $0x100000, s1;
	[bflag:$0x2] =	sbarrier.arrive $0xFFFF  }
0x99: {  	[sflag:s0] =	ssyncadd.tile.s32 @!p0 $0x1;
	_ =	shalt  }
.Lfunc_end2:
_tile_overlayer_lowered:
.L_overlay_start_2:
0x9a: {  	(tag) =	ssettag $0x2  }
0x9b: {  	s0 =	rddreg [dreg:$0x0];
	s2 =	stileid.u32  }
0x9c: {  	s1 =	rddreg [dreg:$0x1];
	p0 =	sne.s32 s2, $0x0  }
0x9d: {  	s3 =	rddreg [dreg:$0x2];
	[bflag:$0x3] =	sbarrier.arrive $0xFFFF;
	s2 =	simm.s32 @!p0 $0x1C02  }
0x9e: {  	[timem:s3], [sflag:s2] =	dma.local @!p0 [hbm:s0], s1  }
0x9f: {  	s0 =	simm.s32 @!p0 $0x2  }
0xa0: {  	_ =	swait.ge @!p0 [sflag:s0], s1  }
0xa1: {  	s1 =	ssub.s32 @!p0 $0x0, s1;
	[sflag:s0] =	ssyncset.done @!p0 $0x0  }
0xa2: {  	[sflag:s0] =	ssyncadd.s32 @!p0 s1  }
0xa3: {  	[bflag:$0x3] =	sbarrier.arrive $0xFFFF  }
0xa4: {  	_ =	shalt  }

</sc_bundles>
